<compile_context>
chip_gen: v7x
topology: tpu7x:2x2x1
jax: 0.10.2.dev20260603
libtpu: 0.0.44.dev20260713+nightly
codegen_flags: <defaults>
</compile_context>

<pallas_src>
import functools

import jax
import jax.numpy as jnp
from jax import lax
from jax.experimental import pallas as pl
from jax.experimental.pallas import tpu as pltpu
from jax.experimental.pallas import tpu_sc as plsc

B, S, D, E, K = 4, 2048, 2048, 16, 2
NOISY_STD = 1.0
T = 1024

_info = plsc.get_sparse_core_info()
_NC, _NS = _info.num_cores, _info.num_subcores
_NW = _NC * _NS


def _matmul_body(x_ref, wt_ref, nw_ref, noise_ref, l_out_ref):
    logits = jax.lax.dot_general(
        x_ref[...], wt_ref[...],
        (((1,), (0,)), ((), ())),
        preferred_element_type=jnp.float32,
    )
    l_out_ref[...] = logits + noise_ref[...] * (NOISY_STD * nw_ref[...])


def _sc_gate(logits_hbm, w_out_hbm, idx_out_hbm, lbuf, wbuf, ibuf):
    rows_w = logits_hbm.shape[0] // _NW
    wid = lax.axis_index("s") * _NC + lax.axis_index("c")
    base = wid * rows_w
    pltpu.sync_copy(logits_hbm.at[pl.ds(base, rows_w), :], lbuf)

    iota = lax.iota(jnp.int32, E)
    neg_inf = jnp.float32(-jnp.inf)
    perms = [jnp.bitwise_xor(iota, jnp.int32(1 << p)) for p in range(4)]

    def _shuf(v, perm):
        return v.at[perm].get(mode="promise_in_bounds")

    def _allmax(v):
        for perm in perms:
            v = jnp.maximum(v, _shuf(v, perm))
        return v

    def _allmin(v):
        for perm in perms:
            v = jnp.minimum(v, _shuf(v, perm))
        return v

    def body(r, carry):
        lrow = lbuf[r]
        m1 = _allmax(lrow)
        idx1 = _allmin(jnp.where(lrow == m1, iota, E))
        masked = jnp.where(iota == idx1, neg_inf, lrow)
        m2 = _allmax(masked)
        idx2 = _allmin(jnp.where(masked == m2, iota, E))
        e2 = jnp.exp(m2 - m1)
        w1 = 1.0 / (1.0 + e2)
        w2 = e2 * w1
        wbuf[r] = jnp.where(iota == idx1, w1,
                            jnp.where(iota == idx2, w2, jnp.float32(0.0)))
        ibuf[r] = jnp.where(iota == 0, idx1, jnp.where(iota == 1, idx2, 0))
        return carry

    lax.fori_loop(0, rows_w, body, 0)

    pltpu.sync_copy(wbuf, w_out_hbm.at[pl.ds(base, rows_w), :])
    pltpu.sync_copy(ibuf, idx_out_hbm.at[pl.ds(base, rows_w), :])


@jax.jit
def kernel(x, W, noise_weight, noise):
    n = B * S
    x2 = x.reshape(n, D)
    wt = W.T
    nw = noise_weight.reshape(1, E)
    noise2 = noise.reshape(n, E)

    grid = (n // T,)
    logits = pl.pallas_call(
        _matmul_body,
        grid=grid,
        in_specs=[
            pl.BlockSpec((T, D), lambda i: (i, 0)),
            pl.BlockSpec((D, E), lambda i: (0, 0)),
            pl.BlockSpec((1, E), lambda i: (0, 0)),
            pl.BlockSpec((T, E), lambda i: (i, 0)),
        ],
        out_specs=pl.BlockSpec((T, E), lambda i: (i, 0)),
        out_shape=jax.ShapeDtypeStruct((n, E), jnp.float32),
        compiler_params=pltpu.CompilerParams(
            dimension_semantics=("arbitrary",),
        ),
    )(x2, wt, nw, noise2)

    rows_w = n // _NW
    mesh = plsc.VectorSubcoreMesh(core_axis_name="c", subcore_axis_name="s")
    gate = functools.partial(
        pl.kernel,
        mesh=mesh,
        out_type=[
            jax.ShapeDtypeStruct((n, E), jnp.float32),
            jax.ShapeDtypeStruct((n, E), jnp.int32),
        ],
        scratch_types=[
            pltpu.VMEM((rows_w, E), jnp.float32),
            pltpu.VMEM((rows_w, E), jnp.float32),
            pltpu.VMEM((rows_w, E), jnp.int32),
        ],
    )(_sc_gate)
    weights, idx16 = gate(logits)

    return weights.reshape(B, S, E), idx16[:, :K].reshape(B, S, K)

# --- scband reference (transcript-rebuilt; emitter-appended) ---
"""Pipeline reference for scband-top-kmo-egate-53154515256360 (READ-ONLY COPY).

The authoritative reference and input builder live on the scoring server;
editing this copy changes nothing except your own understanding.
"""

import jax, jax.numpy as jnp
import numpy as np

B, S, D, E, K = 4, 2048, 2048, 16, 2
NOISY_STD = 1.0


def setup_inputs(seed: int = 0) -> dict:
    key = jax.random.key(seed)
    k1, k2, k3 = jax.random.split(key, 3)
    x = jax.random.normal(k1, (B, S, D), dtype=jnp.float32)
    # gate_linear weight: nn.Linear(n_embd, num_local_experts, bias=False) -> W[E, D]
    W = jax.random.normal(k2, (E, D), dtype=jnp.float32) * 0.02
    # noise_weight initialized to zeros, as in the torch module
    noise_weight = jnp.zeros((E,), dtype=jnp.float32)
    # randn_like(logits) noise materialized here for determinism
    noise = jax.random.normal(k3, (B, S, E), dtype=jnp.float32)
    return {"x": x, "W": W, "noise_weight": noise_weight, "noise": noise}


def reference(x, W, noise_weight, noise):
    # logits = gate_linear(x)
    logits = jnp.einsum('bsd,ed->bse', x, W)
    # noise = randn_like(logits) * noisy_std; noise = noise * noise_weight
    logits_noisy = logits + noise * NOISY_STD * noise_weight
    # top-k over experts
    top_k_vals, top_k_idx = jax.lax.top_k(logits_noisy, K)
    # mask = full(-inf); scatter top-k noisy logits back along last dim
    n = B * S
    flat_idx = top_k_idx.reshape(n, K)
    flat_vals = top_k_vals.reshape(n, K)
    sparse = jnp.full((n, E), -jnp.inf, dtype=logits_noisy.dtype)
    rows = jnp.arange(n)[:, None]
    sparse = sparse.at[rows, flat_idx].set(flat_vals)
    sparse_logits_noisy = sparse.reshape(B, S, E)
    top_k_gated_weights = jax.nn.softmax(sparse_logits_noisy, axis=-1)
    return (top_k_gated_weights, top_k_idx)

if __name__ == "__main__":
    import jax
    _d = setup_inputs()
    print(jax.jit(kernel)(*tuple(_d.values())))

</pallas_src>

<mosaic_0001>
#map = affine_map<(d0, d1) -> (0, 0)>
module attributes {stable_mosaic.version = 14 : i64} {
  func.func @_sc_gate(%arg0: i32, %arg1: i32, %arg2: memref<8192x16xf32, #tpu.memory_space<hbm>>, %arg3: memref<8192x16xf32, #tpu.memory_space<hbm>>, %arg4: memref<8192x16xi32, #tpu.memory_space<hbm>>, %arg5: memref<256x16xf32, #tpu.memory_space<vmem>>, %arg6: memref<256x16xf32, #tpu.memory_space<vmem>>, %arg7: memref<256x16xi32, #tpu.memory_space<vmem>>) attributes {dimension_semantics = [#tpu.dimension_semantics<core_parallel>, #tpu.dimension_semantics<subcore_parallel>], iteration_bounds = array<i64: 2, 16>, scalar_prefetch = 0 : i64, scratch_operands = 3 : i64, tpu.core_type = #tpu.core_type<sc_vector_subcore>, window_params = [{transform_indices = #map}, {transform_indices = #map}, {transform_indices = #map}]} {
    %mul3A = arith.constant 2 : i32
    %mul3A_0 = arith.muli %arg1, %mul3A : i32
    %add3A = arith.addi %mul3A_0, %arg0 : i32
    %mul3A_1 = arith.constant 256 : i32
    %mul3A_2 = arith.muli %add3A, %mul3A_1 : i32
    "tpu.region"() ({
      %run_scoped3A = tpu.sem_alloc : memref<!tpu.dma_semaphore, #tpu.memory_space<semaphore_mem>>
      %dma_start3A = arith.constant 0 : i32
      %dma_start3A_20 = tpu.memref_slice %arg2[%mul3A_2, %dma_start3A] : memref<8192x16xf32, #tpu.memory_space<hbm>> -> memref<256x16xf32, #tpu.memory_space<hbm>>
      %dma_start3A_21 = arith.constant 0 : i32
      %dma_start3A_22 = tpu.memref_slice %arg2[%mul3A_2, %dma_start3A_21] : memref<8192x16xf32, #tpu.memory_space<hbm>> -> memref<256x16xf32, #tpu.memory_space<hbm>>
      tpu.enqueue_dma source(%dma_start3A_22 : memref<256x16xf32, #tpu.memory_space<hbm>>) target(%arg5 : memref<256x16xf32, #tpu.memory_space<vmem>>) target_semaphore(%run_scoped3A : memref<!tpu.dma_semaphore, #tpu.memory_space<semaphore_mem>>)
      %dma_wait3A = arith.constant 0 : i32
      %dma_wait3A_23 = tpu.memref_slice %arg2[%mul3A_2, %dma_wait3A] : memref<8192x16xf32, #tpu.memory_space<hbm>> -> memref<256x16xf32, #tpu.memory_space<hbm>>
      %dma_wait3A_24 = arith.constant 0 : i32
      %dma_wait3A_25 = tpu.memref_slice %arg2[%mul3A_2, %dma_wait3A_24] : memref<8192x16xf32, #tpu.memory_space<hbm>> -> memref<256x16xf32, #tpu.memory_space<hbm>>
      tpu.wait_dma2 semaphore(%run_scoped3A : memref<!tpu.dma_semaphore, #tpu.memory_space<semaphore_mem>>) src(%dma_wait3A_25 : memref<256x16xf32, #tpu.memory_space<hbm>>) dst(%arg5 : memref<256x16xf32, #tpu.memory_space<vmem>>)
      tpu.yield
    }) : () -> ()
    %iota3A = tpu.iota {dimensions = array<i32: 0>} : vector<16xi32>
    %xor3A = arith.constant 1 : i32
    %xor3A_3 = vector.broadcast %xor3A : i32 to vector<16xi32>
    %xor3A_4 = arith.xori %iota3A, %xor3A_3 : vector<16xi32>
    %xor3A_5 = arith.constant 2 : i32
    %xor3A_6 = vector.broadcast %xor3A_5 : i32 to vector<16xi32>
    %xor3A_7 = arith.xori %iota3A, %xor3A_6 : vector<16xi32>
    %xor3A_8 = arith.constant 4 : i32
    %xor3A_9 = vector.broadcast %xor3A_8 : i32 to vector<16xi32>
    %xor3A_10 = arith.xori %iota3A, %xor3A_9 : vector<16xi32>
    %xor3A_11 = arith.constant 8 : i32
    %xor3A_12 = vector.broadcast %xor3A_11 : i32 to vector<16xi32>
    %xor3A_13 = arith.xori %iota3A, %xor3A_12 : vector<16xi32>
    %scan3A = arith.constant 0 : i32
    %scan3A_14 = arith.constant 0xFF800000 : f32
    %scan3A_15 = arith.constant 0 : i32
    %scan3A_16 = arith.constant 256 : i32
    %scan3A_17 = arith.addi %scan3A_15, %scan3A_16 : i32
    %scan3A_18 = arith.constant 1 : i32
    scf.for %scan3A_20 = %scan3A_15 to %scan3A_17 step %scan3A_18  : i32 {
      %get3A = arith.index_cast %scan3A_20 : i32 to index
      %get3A_21 = arith.constant 0 : index
      %get3A_22 = tpu.vector_load %arg5[%get3A, %get3A_21] {strides = array<i32>} : memref<256x16xf32, #tpu.memory_space<vmem>>, vector<1x16xf32>,
      %get3A_23 = vector.shape_cast %get3A_22 : vector<1x16xf32> to vector<16xf32>
      %lt3A = arith.constant 0 : i32
      %lt3A_24 = vector.broadcast %lt3A : i32 to vector<16xi32>
      %lt3A_25 = arith.cmpi slt, %xor3A_4, %lt3A_24 : vector<16xi32>
      %add3A_26 = arith.constant 16 : i32
      %add3A_27 = vector.broadcast %add3A_26 : i32 to vector<16xi32>
      %add3A_28 = arith.addi %xor3A_4, %add3A_27 : vector<16xi32>
      %select_n3A = arith.select %lt3A_25, %add3A_28, %xor3A_4 : vector<16xi1>, vector<16xi32>
      %broadcast_in_dim3A = vector.shape_cast %select_n3A : vector<16xi32> to vector<16x1xi32>
      %gather3A = vector.shape_cast %broadcast_in_dim3A : vector<16x1xi32> to vector<16xi32>
      %gather3A_29 = tpu.dynamic_gather %get3A_23[%gather3A] in [0] : vector<16xf32>, vector<16xi32> -> vector<16xf32>
      %max3A = arith.maximumf %get3A_23, %gather3A_29 : vector<16xf32>
      %lt3A_30 = arith.constant 0 : i32
      %lt3A_31 = vector.broadcast %lt3A_30 : i32 to vector<16xi32>
      %lt3A_32 = arith.cmpi slt, %xor3A_7, %lt3A_31 : vector<16xi32>
      %add3A_33 = arith.constant 16 : i32
      %add3A_34 = vector.broadcast %add3A_33 : i32 to vector<16xi32>
      %add3A_35 = arith.addi %xor3A_7, %add3A_34 : vector<16xi32>
      %select_n3A_36 = arith.select %lt3A_32, %add3A_35, %xor3A_7 : vector<16xi1>, vector<16xi32>
      %broadcast_in_dim3A_37 = vector.shape_cast %select_n3A_36 : vector<16xi32> to vector<16x1xi32>
      %gather3A_38 = vector.shape_cast %broadcast_in_dim3A_37 : vector<16x1xi32> to vector<16xi32>
      %gather3A_39 = tpu.dynamic_gather %max3A[%gather3A_38] in [0] : vector<16xf32>, vector<16xi32> -> vector<16xf32>
      %max3A_40 = arith.maximumf %max3A, %gather3A_39 : vector<16xf32>
      %lt3A_41 = arith.constant 0 : i32
      %lt3A_42 = vector.broadcast %lt3A_41 : i32 to vector<16xi32>
      %lt3A_43 = arith.cmpi slt, %xor3A_10, %lt3A_42 : vector<16xi32>
      %add3A_44 = arith.constant 16 : i32
      %add3A_45 = vector.broadcast %add3A_44 : i32 to vector<16xi32>
      %add3A_46 = arith.addi %xor3A_10, %add3A_45 : vector<16xi32>
      %select_n3A_47 = arith.select %lt3A_43, %add3A_46, %xor3A_10 : vector<16xi1>, vector<16xi32>
      %broadcast_in_dim3A_48 = vector.shape_cast %select_n3A_47 : vector<16xi32> to vector<16x1xi32>
      %gather3A_49 = vector.shape_cast %broadcast_in_dim3A_48 : vector<16x1xi32> to vector<16xi32>
      %gather3A_50 = tpu.dynamic_gather %max3A_40[%gather3A_49] in [0] : vector<16xf32>, vector<16xi32> -> vector<16xf32>
      %max3A_51 = arith.maximumf %max3A_40, %gather3A_50 : vector<16xf32>
      %lt3A_52 = arith.constant 0 : i32
      %lt3A_53 = vector.broadcast %lt3A_52 : i32 to vector<16xi32>
      %lt3A_54 = arith.cmpi slt, %xor3A_13, %lt3A_53 : vector<16xi32>
      %add3A_55 = arith.constant 16 : i32
      %add3A_56 = vector.broadcast %add3A_55 : i32 to vector<16xi32>
      %add3A_57 = arith.addi %xor3A_13, %add3A_56 : vector<16xi32>
      %select_n3A_58 = arith.select %lt3A_54, %add3A_57, %xor3A_13 : vector<16xi1>, vector<16xi32>
      %broadcast_in_dim3A_59 = vector.shape_cast %select_n3A_58 : vector<16xi32> to vector<16x1xi32>
      %gather3A_60 = vector.shape_cast %broadcast_in_dim3A_59 : vector<16x1xi32> to vector<16xi32>
      %gather3A_61 = tpu.dynamic_gather %max3A_51[%gather3A_60] in [0] : vector<16xf32>, vector<16xi32> -> vector<16xf32>
      %max3A_62 = arith.maximumf %max3A_51, %gather3A_61 : vector<16xf32>
      %eq3A = arith.cmpf oeq, %get3A_23, %max3A_62 : vector<16xf32>
      %jit3A = arith.constant 16 : i32
      %broadcast_in_dim3A_63 = vector.broadcast %jit3A : i32 to vector<16xi32>
      %select_n3A_64 = arith.select %eq3A, %iota3A, %broadcast_in_dim3A_63 : vector<16xi1>, vector<16xi32>
      %lt3A_65 = arith.constant 0 : i32
      %lt3A_66 = vector.broadcast %lt3A_65 : i32 to vector<16xi32>
      %lt3A_67 = arith.cmpi slt, %xor3A_4, %lt3A_66 : vector<16xi32>
      %add3A_68 = arith.constant 16 : i32
      %add3A_69 = vector.broadcast %add3A_68 : i32 to vector<16xi32>
      %add3A_70 = arith.addi %xor3A_4, %add3A_69 : vector<16xi32>
      %select_n3A_71 = arith.select %lt3A_67, %add3A_70, %xor3A_4 : vector<16xi1>, vector<16xi32>
      %broadcast_in_dim3A_72 = vector.shape_cast %select_n3A_71 : vector<16xi32> to vector<16x1xi32>
      %gather3A_73 = vector.shape_cast %broadcast_in_dim3A_72 : vector<16x1xi32> to vector<16xi32>
      %gather3A_74 = tpu.dynamic_gather %select_n3A_64[%gather3A_73] in [0] : vector<16xi32>, vector<16xi32> -> vector<16xi32>
      %min3A = arith.minsi %select_n3A_64, %gather3A_74 : vector<16xi32>
      %lt3A_75 = arith.constant 0 : i32
      %lt3A_76 = vector.broadcast %lt3A_75 : i32 to vector<16xi32>
      %lt3A_77 = arith.cmpi slt, %xor3A_7, %lt3A_76 : vector<16xi32>
      %add3A_78 = arith.constant 16 : i32
      %add3A_79 = vector.broadcast %add3A_78 : i32 to vector<16xi32>
      %add3A_80 = arith.addi %xor3A_7, %add3A_79 : vector<16xi32>
      %select_n3A_81 = arith.select %lt3A_77, %add3A_80, %xor3A_7 : vector<16xi1>, vector<16xi32>
      %broadcast_in_dim3A_82 = vector.shape_cast %select_n3A_81 : vector<16xi32> to vector<16x1xi32>
      %gather3A_83 = vector.shape_cast %broadcast_in_dim3A_82 : vector<16x1xi32> to vector<16xi32>
      %gather3A_84 = tpu.dynamic_gather %min3A[%gather3A_83] in [0] : vector<16xi32>, vector<16xi32> -> vector<16xi32>
      %min3A_85 = arith.minsi %min3A, %gather3A_84 : vector<16xi32>
      %lt3A_86 = arith.constant 0 : i32
      %lt3A_87 = vector.broadcast %lt3A_86 : i32 to vector<16xi32>
      %lt3A_88 = arith.cmpi slt, %xor3A_10, %lt3A_87 : vector<16xi32>
      %add3A_89 = arith.constant 16 : i32
      %add3A_90 = vector.broadcast %add3A_89 : i32 to vector<16xi32>
      %add3A_91 = arith.addi %xor3A_10, %add3A_90 : vector<16xi32>
      %select_n3A_92 = arith.select %lt3A_88, %add3A_91, %xor3A_10 : vector<16xi1>, vector<16xi32>
      %broadcast_in_dim3A_93 = vector.shape_cast %select_n3A_92 : vector<16xi32> to vector<16x1xi32>
      %gather3A_94 = vector.shape_cast %broadcast_in_dim3A_93 : vector<16x1xi32> to vector<16xi32>
      %gather3A_95 = tpu.dynamic_gather %min3A_85[%gather3A_94] in [0] : vector<16xi32>, vector<16xi32> -> vector<16xi32>
      %min3A_96 = arith.minsi %min3A_85, %gather3A_95 : vector<16xi32>
      %lt3A_97 = arith.constant 0 : i32
      %lt3A_98 = vector.broadcast %lt3A_97 : i32 to vector<16xi32>
      %lt3A_99 = arith.cmpi slt, %xor3A_13, %lt3A_98 : vector<16xi32>
      %add3A_100 = arith.constant 16 : i32
      %add3A_101 = vector.broadcast %add3A_100 : i32 to vector<16xi32>
      %add3A_102 = arith.addi %xor3A_13, %add3A_101 : vector<16xi32>
      %select_n3A_103 = arith.select %lt3A_99, %add3A_102, %xor3A_13 : vector<16xi1>, vector<16xi32>
      %broadcast_in_dim3A_104 = vector.shape_cast %select_n3A_103 : vector<16xi32> to vector<16x1xi32>
      %gather3A_105 = vector.shape_cast %broadcast_in_dim3A_104 : vector<16x1xi32> to vector<16xi32>
      %gather3A_106 = tpu.dynamic_gather %min3A_96[%gather3A_105] in [0] : vector<16xi32>, vector<16xi32> -> vector<16xi32>
      %min3A_107 = arith.minsi %min3A_96, %gather3A_106 : vector<16xi32>
      %eq3A_108 = arith.cmpi eq, %iota3A, %min3A_107 : vector<16xi32>
      %broadcast_in_dim3A_109 = vector.broadcast %scan3A_14 : f32 to vector<16xf32>
      %select_n3A_110 = arith.select %eq3A_108, %broadcast_in_dim3A_109, %get3A_23 : vector<16xi1>, vector<16xf32>
      %lt3A_111 = arith.constant 0 : i32
      %lt3A_112 = vector.broadcast %lt3A_111 : i32 to vector<16xi32>
      %lt3A_113 = arith.cmpi slt, %xor3A_4, %lt3A_112 : vector<16xi32>
      %add3A_114 = arith.constant 16 : i32
      %add3A_115 = vector.broadcast %add3A_114 : i32 to vector<16xi32>
      %add3A_116 = arith.addi %xor3A_4, %add3A_115 : vector<16xi32>
      %select_n3A_117 = arith.select %lt3A_113, %add3A_116, %xor3A_4 : vector<16xi1>, vector<16xi32>
      %broadcast_in_dim3A_118 = vector.shape_cast %select_n3A_117 : vector<16xi32> to vector<16x1xi32>
      %gather3A_119 = vector.shape_cast %broadcast_in_dim3A_118 : vector<16x1xi32> to vector<16xi32>
      %gather3A_120 = tpu.dynamic_gather %select_n3A_110[%gather3A_119] in [0] : vector<16xf32>, vector<16xi32> -> vector<16xf32>
      %max3A_121 = arith.maximumf %select_n3A_110, %gather3A_120 : vector<16xf32>
      %lt3A_122 = arith.constant 0 : i32
      %lt3A_123 = vector.broadcast %lt3A_122 : i32 to vector<16xi32>
      %lt3A_124 = arith.cmpi slt, %xor3A_7, %lt3A_123 : vector<16xi32>
      %add3A_125 = arith.constant 16 : i32
      %add3A_126 = vector.broadcast %add3A_125 : i32 to vector<16xi32>
      %add3A_127 = arith.addi %xor3A_7, %add3A_126 : vector<16xi32>
      %select_n3A_128 = arith.select %lt3A_124, %add3A_127, %xor3A_7 : vector<16xi1>, vector<16xi32>
      %broadcast_in_dim3A_129 = vector.shape_cast %select_n3A_128 : vector<16xi32> to vector<16x1xi32>
      %gather3A_130 = vector.shape_cast %broadcast_in_dim3A_129 : vector<16x1xi32> to vector<16xi32>
      %gather3A_131 = tpu.dynamic_gather %max3A_121[%gather3A_130] in [0] : vector<16xf32>, vector<16xi32> -> vector<16xf32>
      %max3A_132 = arith.maximumf %max3A_121, %gather3A_131 : vector<16xf32>
      %lt3A_133 = arith.constant 0 : i32
      %lt3A_134 = vector.broadcast %lt3A_133 : i32 to vector<16xi32>
      %lt3A_135 = arith.cmpi slt, %xor3A_10, %lt3A_134 : vector<16xi32>
      %add3A_136 = arith.constant 16 : i32
      %add3A_137 = vector.broadcast %add3A_136 : i32 to vector<16xi32>
      %add3A_138 = arith.addi %xor3A_10, %add3A_137 : vector<16xi32>
      %select_n3A_139 = arith.select %lt3A_135, %add3A_138, %xor3A_10 : vector<16xi1>, vector<16xi32>
      %broadcast_in_dim3A_140 = vector.shape_cast %select_n3A_139 : vector<16xi32> to vector<16x1xi32>
      %gather3A_141 = vector.shape_cast %broadcast_in_dim3A_140 : vector<16x1xi32> to vector<16xi32>
      %gather3A_142 = tpu.dynamic_gather %max3A_132[%gather3A_141] in [0] : vector<16xf32>, vector<16xi32> -> vector<16xf32>
      %max3A_143 = arith.maximumf %max3A_132, %gather3A_142 : vector<16xf32>
      %lt3A_144 = arith.constant 0 : i32
      %lt3A_145 = vector.broadcast %lt3A_144 : i32 to vector<16xi32>
      %lt3A_146 = arith.cmpi slt, %xor3A_13, %lt3A_145 : vector<16xi32>
      %add3A_147 = arith.constant 16 : i32
      %add3A_148 = vector.broadcast %add3A_147 : i32 to vector<16xi32>
      %add3A_149 = arith.addi %xor3A_13, %add3A_148 : vector<16xi32>
      %select_n3A_150 = arith.select %lt3A_146, %add3A_149, %xor3A_13 : vector<16xi1>, vector<16xi32>
      %broadcast_in_dim3A_151 = vector.shape_cast %select_n3A_150 : vector<16xi32> to vector<16x1xi32>
      %gather3A_152 = vector.shape_cast %broadcast_in_dim3A_151 : vector<16x1xi32> to vector<16xi32>
      %gather3A_153 = tpu.dynamic_gather %max3A_143[%gather3A_152] in [0] : vector<16xf32>, vector<16xi32> -> vector<16xf32>
      %max3A_154 = arith.maximumf %max3A_143, %gather3A_153 : vector<16xf32>
      %eq3A_155 = arith.cmpf oeq, %select_n3A_110, %max3A_154 : vector<16xf32>
      %jit3A_156 = arith.constant 16 : i32
      %broadcast_in_dim3A_157 = vector.broadcast %jit3A_156 : i32 to vector<16xi32>
      %select_n3A_158 = arith.select %eq3A_155, %iota3A, %broadcast_in_dim3A_157 : vector<16xi1>, vector<16xi32>
      %lt3A_159 = arith.constant 0 : i32
      %lt3A_160 = vector.broadcast %lt3A_159 : i32 to vector<16xi32>
      %lt3A_161 = arith.cmpi slt, %xor3A_4, %lt3A_160 : vector<16xi32>
      %add3A_162 = arith.constant 16 : i32
      %add3A_163 = vector.broadcast %add3A_162 : i32 to vector<16xi32>
      %add3A_164 = arith.addi %xor3A_4, %add3A_163 : vector<16xi32>
      %select_n3A_165 = arith.select %lt3A_161, %add3A_164, %xor3A_4 : vector<16xi1>, vector<16xi32>
      %broadcast_in_dim3A_166 = vector.shape_cast %select_n3A_165 : vector<16xi32> to vector<16x1xi32>
      %gather3A_167 = vector.shape_cast %broadcast_in_dim3A_166 : vector<16x1xi32> to vector<16xi32>
      %gather3A_168 = tpu.dynamic_gather %select_n3A_158[%gather3A_167] in [0] : vector<16xi32>, vector<16xi32> -> vector<16xi32>
      %min3A_169 = arith.minsi %select_n3A_158, %gather3A_168 : vector<16xi32>
      %lt3A_170 = arith.constant 0 : i32
      %lt3A_171 = vector.broadcast %lt3A_170 : i32 to vector<16xi32>
      %lt3A_172 = arith.cmpi slt, %xor3A_7, %lt3A_171 : vector<16xi32>
      %add3A_173 = arith.constant 16 : i32
      %add3A_174 = vector.broadcast %add3A_173 : i32 to vector<16xi32>
      %add3A_175 = arith.addi %xor3A_7, %add3A_174 : vector<16xi32>
      %select_n3A_176 = arith.select %lt3A_172, %add3A_175, %xor3A_7 : vector<16xi1>, vector<16xi32>
      %broadcast_in_dim3A_177 = vector.shape_cast %select_n3A_176 : vector<16xi32> to vector<16x1xi32>
      %gather3A_178 = vector.shape_cast %broadcast_in_dim3A_177 : vector<16x1xi32> to vector<16xi32>
      %gather3A_179 = tpu.dynamic_gather %min3A_169[%gather3A_178] in [0] : vector<16xi32>, vector<16xi32> -> vector<16xi32>
      %min3A_180 = arith.minsi %min3A_169, %gather3A_179 : vector<16xi32>
      %lt3A_181 = arith.constant 0 : i32
      %lt3A_182 = vector.broadcast %lt3A_181 : i32 to vector<16xi32>
      %lt3A_183 = arith.cmpi slt, %xor3A_10, %lt3A_182 : vector<16xi32>
      %add3A_184 = arith.constant 16 : i32
      %add3A_185 = vector.broadcast %add3A_184 : i32 to vector<16xi32>
      %add3A_186 = arith.addi %xor3A_10, %add3A_185 : vector<16xi32>
      %select_n3A_187 = arith.select %lt3A_183, %add3A_186, %xor3A_10 : vector<16xi1>, vector<16xi32>
      %broadcast_in_dim3A_188 = vector.shape_cast %select_n3A_187 : vector<16xi32> to vector<16x1xi32>
      %gather3A_189 = vector.shape_cast %broadcast_in_dim3A_188 : vector<16x1xi32> to vector<16xi32>
      %gather3A_190 = tpu.dynamic_gather %min3A_180[%gather3A_189] in [0] : vector<16xi32>, vector<16xi32> -> vector<16xi32>
      %min3A_191 = arith.minsi %min3A_180, %gather3A_190 : vector<16xi32>
      %lt3A_192 = arith.constant 0 : i32
      %lt3A_193 = vector.broadcast %lt3A_192 : i32 to vector<16xi32>
      %lt3A_194 = arith.cmpi slt, %xor3A_13, %lt3A_193 : vector<16xi32>
      %add3A_195 = arith.constant 16 : i32
      %add3A_196 = vector.broadcast %add3A_195 : i32 to vector<16xi32>
      %add3A_197 = arith.addi %xor3A_13, %add3A_196 : vector<16xi32>
      %select_n3A_198 = arith.select %lt3A_194, %add3A_197, %xor3A_13 : vector<16xi1>, vector<16xi32>
      %broadcast_in_dim3A_199 = vector.shape_cast %select_n3A_198 : vector<16xi32> to vector<16x1xi32>
      %gather3A_200 = vector.shape_cast %broadcast_in_dim3A_199 : vector<16x1xi32> to vector<16xi32>
      %gather3A_201 = tpu.dynamic_gather %min3A_191[%gather3A_200] in [0] : vector<16xi32>, vector<16xi32> -> vector<16xi32>
      %min3A_202 = arith.minsi %min3A_191, %gather3A_201 : vector<16xi32>
      %sub3A = arith.subf %max3A_154, %max3A_62 : vector<16xf32>
      %exp3A = math.exp %sub3A : vector<16xf32>
      %add3A_203 = arith.constant 1.000000e+00 : f32
      %add3A_204 = vector.broadcast %add3A_203 : f32 to vector<16xf32>
      %add3A_205 = arith.addf %add3A_204, %exp3A : vector<16xf32>
      %div3A = arith.constant 1.000000e+00 : f32
      %div3A_206 = vector.broadcast %div3A : f32 to vector<16xf32>
      %div3A_207 = arith.divf %div3A_206, %add3A_205 : vector<16xf32>
      %mul3A_208 = arith.mulf %exp3A, %div3A_207 : vector<16xf32>
      %eq3A_209 = arith.cmpi eq, %iota3A, %min3A_107 : vector<16xi32>
      %eq3A_210 = arith.cmpi eq, %iota3A, %min3A_202 : vector<16xi32>
      %jit3A_211 = arith.constant 0.000000e+00 : f32
      %broadcast_in_dim3A_212 = vector.broadcast %jit3A_211 : f32 to vector<16xf32>
      %select_n3A_213 = arith.select %eq3A_210, %mul3A_208, %broadcast_in_dim3A_212 : vector<16xi1>, vector<16xf32>
      %select_n3A_214 = arith.select %eq3A_209, %div3A_207, %select_n3A_213 : vector<16xi1>, vector<16xf32>
      %swap3A = arith.index_cast %scan3A_20 : i32 to index
      %swap3A_215 = arith.constant 0 : index
      %swap3A_216 = tpu.vector_load %arg6[%swap3A, %swap3A_215] {strides = array<i32>} : memref<256x16xf32, #tpu.memory_space<vmem>>, vector<1x16xf32>,
      %swap3A_217 = vector.shape_cast %swap3A_216 : vector<1x16xf32> to vector<16xf32>
      %swap3A_218 = vector.shape_cast %select_n3A_214 : vector<16xf32> to vector<1x16xf32>
      tpu.vector_store %arg6[%swap3A, %swap3A_215], %swap3A_218 {strides = array<i32>} : memref<256x16xf32, #tpu.memory_space<vmem>>, vector<1x16xf32>,
      %eq3A_219 = arith.constant 0 : i32
      %eq3A_220 = vector.broadcast %eq3A_219 : i32 to vector<16xi32>
      %eq3A_221 = arith.cmpi eq, %iota3A, %eq3A_220 : vector<16xi32>
      %eq3A_222 = arith.constant 1 : i32
      %eq3A_223 = vector.broadcast %eq3A_222 : i32 to vector<16xi32>
      %eq3A_224 = arith.cmpi eq, %iota3A, %eq3A_223 : vector<16xi32>
      %jit3A_225 = arith.constant 0 : i32
      %broadcast_in_dim3A_226 = vector.broadcast %jit3A_225 : i32 to vector<16xi32>
      %select_n3A_227 = arith.select %eq3A_224, %min3A_202, %broadcast_in_dim3A_226 : vector<16xi1>, vector<16xi32>
      %select_n3A_228 = arith.select %eq3A_221, %min3A_107, %select_n3A_227 : vector<16xi1>, vector<16xi32>
      %swap3A_229 = arith.index_cast %scan3A_20 : i32 to index
      %swap3A_230 = arith.constant 0 : index
      %swap3A_231 = tpu.vector_load %arg7[%swap3A_229, %swap3A_230] {strides = array<i32>} : memref<256x16xi32, #tpu.memory_space<vmem>>, vector<1x16xi32>,
      %swap3A_232 = vector.shape_cast %swap3A_231 : vector<1x16xi32> to vector<16xi32>
      %swap3A_233 = vector.shape_cast %select_n3A_228 : vector<16xi32> to vector<1x16xi32>
      tpu.vector_store %arg7[%swap3A_229, %swap3A_230], %swap3A_233 {strides = array<i32>} : memref<256x16xi32, #tpu.memory_space<vmem>>, vector<1x16xi32>,
    }
    %scan3A_19 = arith.constant 256 : i32
    "tpu.region"() ({
      %run_scoped3A = tpu.sem_alloc : memref<!tpu.dma_semaphore, #tpu.memory_space<semaphore_mem>>
      %dma_start3A = arith.constant 0 : i32
      %dma_start3A_20 = tpu.memref_slice %arg3[%mul3A_2, %dma_start3A] : memref<8192x16xf32, #tpu.memory_space<hbm>> -> memref<256x16xf32, #tpu.memory_space<hbm>>
      %dma_start3A_21 = arith.constant 0 : i32
      %dma_start3A_22 = tpu.memref_slice %arg3[%mul3A_2, %dma_start3A_21] : memref<8192x16xf32, #tpu.memory_space<hbm>> -> memref<256x16xf32, #tpu.memory_space<hbm>>
      tpu.enqueue_dma source(%arg6 : memref<256x16xf32, #tpu.memory_space<vmem>>) target(%dma_start3A_22 : memref<256x16xf32, #tpu.memory_space<hbm>>) target_semaphore(%run_scoped3A : memref<!tpu.dma_semaphore, #tpu.memory_space<semaphore_mem>>)
      %dma_wait3A = arith.constant 0 : i32
      %dma_wait3A_23 = tpu.memref_slice %arg3[%mul3A_2, %dma_wait3A] : memref<8192x16xf32, #tpu.memory_space<hbm>> -> memref<256x16xf32, #tpu.memory_space<hbm>>
      %dma_wait3A_24 = arith.constant 0 : i32
      %dma_wait3A_25 = tpu.memref_slice %arg3[%mul3A_2, %dma_wait3A_24] : memref<8192x16xf32, #tpu.memory_space<hbm>> -> memref<256x16xf32, #tpu.memory_space<hbm>>
      tpu.wait_dma2 semaphore(%run_scoped3A : memref<!tpu.dma_semaphore, #tpu.memory_space<semaphore_mem>>) src(%arg6 : memref<256x16xf32, #tpu.memory_space<vmem>>) dst(%dma_wait3A_25 : memref<256x16xf32, #tpu.memory_space<hbm>>)
      tpu.yield
    }) : () -> ()
    "tpu.region"() ({
      %run_scoped3A = tpu.sem_alloc : memref<!tpu.dma_semaphore, #tpu.memory_space<semaphore_mem>>
      %dma_start3A = arith.constant 0 : i32
      %dma_start3A_20 = tpu.memref_slice %arg4[%mul3A_2, %dma_start3A] : memref<8192x16xi32, #tpu.memory_space<hbm>> -> memref<256x16xi32, #tpu.memory_space<hbm>>
      %dma_start3A_21 = arith.constant 0 : i32
      %dma_start3A_22 = tpu.memref_slice %arg4[%mul3A_2, %dma_start3A_21] : memref<8192x16xi32, #tpu.memory_space<hbm>> -> memref<256x16xi32, #tpu.memory_space<hbm>>
      tpu.enqueue_dma source(%arg7 : memref<256x16xi32, #tpu.memory_space<vmem>>) target(%dma_start3A_22 : memref<256x16xi32, #tpu.memory_space<hbm>>) target_semaphore(%run_scoped3A : memref<!tpu.dma_semaphore, #tpu.memory_space<semaphore_mem>>)
      %dma_wait3A = arith.constant 0 : i32
      %dma_wait3A_23 = tpu.memref_slice %arg4[%mul3A_2, %dma_wait3A] : memref<8192x16xi32, #tpu.memory_space<hbm>> -> memref<256x16xi32, #tpu.memory_space<hbm>>
      %dma_wait3A_24 = arith.constant 0 : i32
      %dma_wait3A_25 = tpu.memref_slice %arg4[%mul3A_2, %dma_wait3A_24] : memref<8192x16xi32, #tpu.memory_space<hbm>> -> memref<256x16xi32, #tpu.memory_space<hbm>>
      tpu.wait_dma2 semaphore(%run_scoped3A : memref<!tpu.dma_semaphore, #tpu.memory_space<semaphore_mem>>) src(%arg7 : memref<256x16xi32, #tpu.memory_space<vmem>>) dst(%dma_wait3A_25 : memref<256x16xi32, #tpu.memory_space<hbm>>)
      tpu.yield
    }) : () -> ()
    return
  }
}

module attributes {stable_mosaic.version = 14 : i64} {
  func.func @_matmul_body(%arg0: i32, %arg1: memref<1024x2048xf32, #tpu.memory_space<vmem>>, %arg2: memref<2048x16xf32, #tpu.memory_space<vmem>>, %arg3: memref<1x16xf32, #tpu.memory_space<vmem>>, %arg4: memref<1024x16xf32, #tpu.memory_space<vmem>>, %arg5: memref<1024x16xf32, #tpu.memory_space<vmem>>) attributes {dimension_semantics = [#tpu.dimension_semantics<arbitrary>], iteration_bounds = array<i64: 8>, scalar_prefetch = 0 : i64, scratch_operands = 0 : i64, tpu.core_type = #tpu.core_type<tc>, window_params = [{transform_indices = @transform_0, window_bounds = array<i64: 1024, 2048>}, {pipeline_mode = #tpu.pipeline_mode<synchronous>, transform_indices = @transform_1, window_bounds = array<i64: 2048, 16>}, {pipeline_mode = #tpu.pipeline_mode<synchronous>, transform_indices = @transform_2, window_bounds = array<i64: 1, 16>}, {transform_indices = @transform_3, window_bounds = array<i64: 1024, 16>}, {transform_indices = @transform_4, window_bounds = array<i64: 1024, 16>}]} {
    %get3A = arith.constant 0 : index
    %get3A_0 = arith.constant 0 : index
    %get3A_1 = vector.load %arg1[%get3A, %get3A_0] : memref<1024x2048xf32, #tpu.memory_space<vmem>>, vector<1024x2048xf32>
    %get3A_2 = arith.constant 0 : index
    %get3A_3 = arith.constant 0 : index
    %get3A_4 = vector.load %arg2[%get3A_2, %get3A_3] : memref<2048x16xf32, #tpu.memory_space<vmem>>, vector<2048x16xf32>
    %dot_general3A = arith.constant dense<0.000000e+00> : vector<1024x16xf32>
    %dot_general3A_5 = tpu.matmul %get3A_1, %get3A_4, %dot_general3A {dimension_numbers = #tpu.dot_dimension_numbers<[1], [0], [0], [1], [0, 0, 1, 1], [], []>, transpose_lhs_hint = false} : vector<1024x2048xf32>, vector<2048x16xf32>, vector<1024x16xf32> -> vector<1024x16xf32>
    %get3A_6 = arith.constant 0 : index
    %get3A_7 = arith.constant 0 : index
    %get3A_8 = vector.load %arg4[%get3A_6, %get3A_7] : memref<1024x16xf32, #tpu.memory_space<vmem>>, vector<1024x16xf32>
    %get3A_9 = arith.constant 0 : index
    %get3A_10 = arith.constant 0 : index
    %get3A_11 = vector.load %arg3[%get3A_9, %get3A_10] : memref<1x16xf32, #tpu.memory_space<vmem>>, vector<1x16xf32>
    %mul3A = arith.constant 1.000000e+00 : f32
    %mul3A_12 = vector.broadcast %mul3A : f32 to vector<1x16xf32>
    %mul3A_13 = arith.mulf %mul3A_12, %get3A_11 : vector<1x16xf32>
    %mul3A_14 = vector.broadcast %mul3A_13 : vector<1x16xf32> to vector<1024x16xf32>
    %mul3A_15 = arith.mulf %get3A_8, %mul3A_14 : vector<1024x16xf32>
    %add3A = arith.addf %dot_general3A_5, %mul3A_15 : vector<1024x16xf32>
    %swap3A = arith.constant 0 : index
    %swap3A_16 = arith.constant 0 : index
    %swap3A_17 = vector.load %arg5[%swap3A, %swap3A_16] : memref<1024x16xf32, #tpu.memory_space<vmem>>, vector<1024x16xf32>
    tpu.vector_store %arg5[%swap3A, %swap3A_16], %add3A {strides = array<i32>} : memref<1024x16xf32, #tpu.memory_space<vmem>>, vector<1024x16xf32>,
    return
  }
  func.func @transform_0(%arg0: i32) -> (i32, i32) {
    %c0_i32 = arith.constant 0 : i32
    %c0_i32_0 = arith.constant 0 : i32
    return %arg0, %c0_i32 : i32, i32
  }
  func.func @transform_1(%arg0: i32) -> (i32, i32) {
    %c0_i32 = arith.constant 0 : i32
    %c0_i32_0 = arith.constant 0 : i32
    %c0_i32_1 = arith.constant 0 : i32
    return %c0_i32, %c0_i32_0 : i32, i32
  }
  func.func @transform_2(%arg0: i32) -> (i32, i32) {
    %c0_i32 = arith.constant 0 : i32
    %c0_i32_0 = arith.constant 0 : i32
    %c0_i32_1 = arith.constant 0 : i32
    return %c0_i32, %c0_i32_0 : i32, i32
  }
  func.func @transform_3(%arg0: i32) -> (i32, i32) {
    %c0_i32 = arith.constant 0 : i32
    %c0_i32_0 = arith.constant 0 : i32
    return %arg0, %c0_i32 : i32, i32
  }
  func.func @transform_4(%arg0: i32) -> (i32, i32) {
    %c0_i32 = arith.constant 0 : i32
    %c0_i32_0 = arith.constant 0 : i32
    return %arg0, %c0_i32 : i32, i32
  }
}

</mosaic_0001>

<sc_bundles>
// kernel: kernel.4.cloned.1.call-start
scs
__scs_entry_jumppad:
0x0: {  	(pc) =	sbr.rel $0x88, $3  }
0x1: {  	(tag) =	ssettag $0x0;
	lr =	simm.s32 $0x1  }
0x2: {  	[smem:$0x3F9D] =	sst lr;
	_ =	strace $0xD0000000  }
0x3: {  	_ = 	snop  }
0x4: {  	_ = 	snop  }
0x5: {  	_ = 	snop  }
0x6: {  	_ = 	snop  }
0x7: {  	_ = 	snop  }
__scs_overlays_trampoline_lowered:
0x8: {  	[smem:$0x3FAC] =	sst s0  }
0x9: {  	[smem:$0x3FAD] =	sst s1  }
0xa: {  	[smem:$0x3FAE] =	sst s2  }
0xb: {  	[smem:$0x3FAF] =	sst s3  }
0xc: {  	[smem:$0x3FB0] =	sst s4  }
0xd: {  	[smem:$0x3FB1] =	sst s5  }
0xe: {  	[smem:$0x3FB2] =	sst s6  }
0xf: {  	[smem:$0x3FB3] =	sst s7  }
0x10: {  	[smem:$0x3FB4] =	sst s8  }
0x11: {  	[smem:$0x3FB5] =	sst s9;
	s0 =	simm.s32 @!p0 $0x0  }
0x12: {  	s1 =	sld [smem:$0x3F9B];
	s0 =	simm.s32 @p0 $0x1  }
0x13: {  	[smem:$0x3FB6] =	sst s0;
	s0 =	simm.s32 @!p1 $0x0  }
0x14: {  	s2 =	sld [smem:$0x3F9A];
	s0 =	simm.s32 @p1 $0x1  }
0x15: {  	[smem:$0x3FB7] =	sst s0;
	s0 =	simm.s32 @!p2 $0x0  }
0x16: {  	s3 =	sld [smem:$0x3FDB];
	s0 =	simm.s32 @p2 $0x1  }
0x17: {  	s4 =	simm.s32 $0x1BF5;
	[smem:$0x3FB9] =	sst s0  }
0x18: {  	s0 =	sld [smem:$0x3F9C];
	_ =	swait.ge [sflag:s4], $0x0  }
0x19: {  	s7 =	sld [smem:$0x3F9D]  }
0x1a: {  	s8 =	sadd.s32 $0xFFFFE003, lr  }
0x1b: {  	s9 =	sadd.s32 $0xFFFFFEF7, lr;
	s5 =	simm.s32 $0xFFFFFFFF;
	p2 =	slt.u32 s8, $0xFFFFF086  }
0x1c: {  	p1 =	slt.u32 s9, $0xF7A;
	s5 =	simm.s32 @!p2 $0x0  }
0x1d: {  	s5 =	simm.s32 @p1 $0x1;
	p0 =	seq.s32 s7, s2  }
0x1e: {  	s7 =	smul.u32 @!p0 $0xF7A, s2;
	p2 =	seq.s32 @!p0 s5, $0x0  }
0x1f: {  	s9 =	smul.u32 $0xF7A, s1;
	s8 =	simm.s32 @!p0 $0x1BF5;
	p2 =	por !p2, p0  }
0x20: {  	[sflag:s8] =	ssyncset.s32 @!p0 $0xFFFFF086;
	s6 =	sadd.s32 @!p0 s3, s7;
	s7 =	simm.s32 @!p0 $0x108  }
0x21: {  	s3 =	sadd.s32 s3, s9;
	s6 =	sadd.s32 @!p0 $0x88, s6;
	s7 =	simm.s32 @p2 $0x1082  }
0x22: {  	[simem:s7], [sflag:s8] =	dma.local @!p0 [hbm:s6], $0xF7A  }
0x23: {  	s9 =	sor.u32 $0xD0000000, s2;
	s6 =	simm.s32 $0x108;
	_ =	swait.ge @!p0 [sflag:s8], $0x0  }
0x24: {  	s3 =	sadd.s32 $0x88, s3;
	s6 =	simm.s32 @!p1 $0x1082;
	[sflag:s4] =	ssyncset.s32 $0xFFFFF086  }
0x25: {  	[simem:s6], [sflag:s4] =	dma.local [hbm:s3], $0xF7A  }
0x26: {  	[smem:$0x3F9D] =	sst s1;
	(tag) =	ssettag s2;
	_ =	strace s9  }
0x27: {  	s1 =	sld [smem:$0x3FAD]  }
0x28: {  	s2 =	sld [smem:$0x3FAE]  }
0x29: {  	s4 =	sld [smem:$0x3FB0]  }
0x2a: {  	p0 =	seq.s32 s5, $0x0;
	s5 =	sld [smem:$0x3FB1]  }
0x2b: {  	s6 =	sld [smem:$0x3FB2]  }
0x2c: {  	s7 =	sld [smem:$0x3FB3]  }
0x2d: {  	s3 =	simm.s32 $0x108;
	s8 =	sld [smem:$0x3FB4]  }
0x2e: {  	s3 =	simm.s32 @!p0 $0x1082;
	s9 =	sld [smem:$0x3FB5]  }
0x2f: {  	lr =	sadd.s32 s0, s3;
	s0 =	sld [smem:$0x3FAC]  }
0x30: {  	s3 =	sld [smem:$0x3FAF]  }
0x31: {  	[smem:$0x3FB8] =	sst s10  }
0x32: {  	s10 =	sld [smem:$0x3FB6];
	_ =	sdelay $0x3  }
0x33: {  	p0 =	seq.s32 s10, $0x1;
	s10 =	sld [smem:$0x3FB8];
	_ =	sdelay $0x3  }
0x34: {  	[smem:$0x3FB8] =	sst s10  }
0x35: {  	s10 =	sld [smem:$0x3FB7];
	_ =	sdelay $0x3  }
0x36: {  	p1 =	seq.s32 s10, $0x1;
	s10 =	sld [smem:$0x3FB8];
	_ =	sdelay $0x3  }
0x37: {  	[smem:$0x3FB8] =	sst s10  }
0x38: {  	s10 =	sld [smem:$0x3FB9]  }
0x39: {  	_ = 	snop;
	(pc) =	sbr.ind lr, $3  }
0x3a: {  	_ = 	snop  }
0x3b: {  	_ = 	snop  }
0x3c: {  	p2 =	seq.s32 s10, $0x1;
	s10 =	sld [smem:$0x3FB8]  }
0x3d: {  	_ =	shalt  }
0x3e: {  	_ =	shalt  }
0x3f: {  	_ =	shalt  }
0x40: {  	_ =	shalt  }
0x41: {  	_ =	shalt  }
0x42: {  	_ =	shalt  }
0x43: {  	_ =	shalt  }
0x44: {  	_ =	shalt  }
0x45: {  	_ =	shalt  }
0x46: {  	_ =	shalt  }
0x47: {  	_ =	shalt  }
0x48: {  	_ =	shalt  }
0x49: {  	_ =	shalt  }
0x4a: {  	_ =	shalt  }
0x4b: {  	_ =	shalt  }
0x4c: {  	_ =	shalt  }
0x4d: {  	_ =	shalt  }
0x4e: {  	_ =	shalt  }
0x4f: {  	_ =	shalt  }
0x50: {  	_ =	shalt  }
0x51: {  	_ =	shalt  }
0x52: {  	_ =	shalt  }
0x53: {  	_ =	shalt  }
0x54: {  	_ =	shalt  }
0x55: {  	_ =	shalt  }
0x56: {  	_ =	shalt  }
0x57: {  	_ =	shalt  }
0x58: {  	_ =	shalt  }
0x59: {  	_ =	shalt  }
0x5a: {  	_ =	shalt  }
0x5b: {  	_ =	shalt  }
0x5c: {  	_ =	shalt  }
0x5d: {  	_ =	shalt  }
0x5e: {  	_ =	shalt  }
0x5f: {  	_ =	shalt  }
0x60: {  	_ =	shalt  }
0x61: {  	_ =	shalt  }
0x62: {  	_ =	shalt  }
0x63: {  	_ =	shalt  }
0x64: {  	_ =	shalt  }
0x65: {  	_ =	shalt  }
0x66: {  	_ =	shalt  }
0x67: {  	_ =	shalt  }
0x68: {  	_ =	shalt  }
0x69: {  	_ =	shalt  }
0x6a: {  	_ =	shalt  }
0x6b: {  	_ =	shalt  }
0x6c: {  	_ =	shalt  }
0x6d: {  	_ =	shalt  }
0x6e: {  	_ =	shalt  }
0x6f: {  	_ =	shalt  }
0x70: {  	_ =	shalt  }
0x71: {  	_ =	shalt  }
0x72: {  	_ =	shalt  }
0x73: {  	_ =	shalt  }
0x74: {  	_ =	shalt  }
0x75: {  	_ =	shalt  }
0x76: {  	_ =	shalt  }
0x77: {  	_ =	shalt  }
0x78: {  	_ =	shalt  }
0x79: {  	_ =	shalt  }
0x7a: {  	_ =	shalt  }
0x7b: {  	_ =	shalt  }
0x7c: {  	_ =	shalt  }
0x7d: {  	_ =	shalt  }
0x7e: {  	_ =	shalt  }
0x7f: {  	_ =	shalt  }
0x80: {  	_ =	shalt  }
0x81: {  	_ =	shalt  }
0x82: {  	_ =	shalt  }
0x83: {  	_ =	shalt  }
0x84: {  	_ =	shalt  }
0x85: {  	_ =	shalt  }
0x86: {  	_ =	shalt  }
0x87: {  	_ =	shalt  }
.Lfunc_end0:
.L_simem_size_0:
called_computation_lowered:
.L_overlay_start_0:
0x88: {  	s2 =	sld [smem:$0x3FD9]  }
0x89: {  	s3 =	sld [smem:$0x3FFE];
	_ =	sdelay $0x1  }
0x8a: {  	s1 =	srdreg.scid  }
0x8b: {  	s0 =	sand.u32 $0x1, s1  }
0x8c: {  	s16 =	sshll.u32 s0, $0xA;
	s2 =	sadd.s32 s3, s2  }
0x8d: {  	s2 =	sadd.s32 s2, s16  }
0x8e: {  	[smem:$0x3FC4] =	sst s2  }
0x8f: {  	_ = 	snop  }
0x90: {  	(tm) =	ssettm $0x1  }
0x91: {  	s17 =	sld [smem:$0x3FFB];
	_ =	sdelay $0x3  }
0x92: {  	_ =	strace s17  }
0x93: {  	s2 =	sld [smem:$0x3FFC];
	_ =	sdelay $0x3  }
0x94: {  	_ =	strace s2  }
0x95: {  	s2 =	sld [smem:$0x3FFD];
	_ =	sdelay $0x3  }
0x96: {  	_ =	strace s2  }
0x97: {  	_ =	strace $0x8FFFFFFF  }
0x98: {  	s18 =	sld [smem:$0x3FDB];
	_ =	sdelay $0x1  }
0x99: {  	s19 =	simm.s32 $_scs_section_size  }
0x9a: {  	s4 =	simm.s32 $_size__tile_overlayer_lowered;
	s5 =	simm.s32 $_tile_overlayer_lowered  }
0x9b: {  	s22 =	simm.s32 $0x1BFF;
	s21 =	sshll.u32 s5, $0x1;
	s2 =	sadd.s32 s19, s18  }
0x9c: {  	s6 =	simm.s32 $0x0;
	s20 =	sshll.u32 s4, $0x1;
	s4 =	sadd.s32 s21, s2  }
0x9d: {  	[timem:s6], [sflag:s22] =	dma.local [hbm:s4], s20  }
0x9e: {  	_ =	swait.ge [sflag:s22], s20  }
0x9f: {  	s3 =	ssub.s32 $0x0, s20;
	[sflag:s22] =	ssyncset.done $0x0  }
0xa0: {  	[sflag:s22] =	ssyncadd.s32 s3;
	_ =	sdelay $0x1  }
0xa1: {  	s23 =	simm.s32 $0x1B8B  }
0xa2: {  	_ =	swait.ge [sflag:s23], $0x1  }
0xa3: {  	[sflag:s23] =	ssyncset.done $0x0  }
0xa4: {  	s25 =	simm.s32 $0x1B8E;
	s24 =	sld [smem:$0x3FFE];
	[sflag:s23] =	ssyncadd.s32 $0xFFFFFFFF  }
0xa5: {  	s26 =	simm.s32 $execute0_lowered;
	[smem:$0x3FD2] =	sst s25  }
0xa6: {  	s4 =	sshll.u32 s26, $0x1;
	_ =	strace $0x80000046;
	[dreg:$0x1] =	wrdreg $0xFFFFFFFF  }
0xa7: {  	s28 =	simm.s32 $_size_execute0_lowered;
	s2 =	sadd.s32 s2, s4;
	[dreg:$0x0] =	wrdreg $0x0  }
0xa8: {  	s4 =	sshll.u32 s28, $0x1;
	[dreg:$0x2] =	wrdreg s2  }
0xa9: {  	[dreg:$0x3] =	wrdreg s4  }
0xaa: {  	[dreg:$0x4] =	wrdreg $0xC0  }
0xab: {  	_ =	task [dreg:s6], $0x5FFFF  }
0xac: {  	[dreg:$0x1] =	wrdreg $0xFFFFFFFF  }
0xad: {  	[dreg:$0x0] =	wrdreg $0x60  }
0xae: {  	[dreg:$0x2] =	wrdreg s24  }
0xaf: {  	[dreg:$0x3] =	wrdreg $0x9  }
0xb0: {  	_ =	task.clear_ibuf [dreg:s6], $0x4FFFF;
	_ =	strace $0x90000046  }
0xb1: {  	s29 =	simm.s32 $0x9;
	_ =	strace $0x80000048  }
0xb2: {  	_ =	swait.ge [sflag:s29], $0x1  }
0xb3: {  	[sflag:s29] =	ssyncadd.s32 $0xFFFFFFFF  }
0xb4: {  	_ =	strace $0x90000048  }
0xb5: {  	_ =	sfence  }
0xb6: {  	s30 =	sld [smem:$0x0];
	_ =	sdelay $0x2  }
0xb7: {  	s31 =	sshll.u32 s1, $0xD;
	s1 =	sshrl.u32 s1, $0x2  }
0xb8: {  	s3 =	sand.u32 $0x4000, s31;
	s1 =	sadd.s32 s1, s30  }
0xb9: {  	s0 =	sor.u32 s3, s0;
	s1 =	sshll.u32 s1, $0x11  }
0xba: {  	s0 =	sor.u32 s1, s0  }
0xbb: {  	s0 =	sadd.s32 $0x8F2B, s0  }
0xbc: {  	[sflag:s0] =	ssyncadd.remote.s32 $0x1  }
0xbd: {  	_ =	sfence.sel $0xFFFF  }
0xbe: {  	[dreg:$0x0] =	wrdreg $0xFFFFFFFF;
	(pc) =	sbr.abs _section_cstart, $3  }
0xbf: {  	[dreg:$0x1] =	wrdreg $0xFFFFFFFF  }
0xc0: {  	_ =	task.clear_ibuf [dreg:s6], $0x2FFFF;
	_ =	strace $0x9FFFFFFF  }
0xc1: {  	(tm) =	ssettm $0x7FFFFFFF  }
tec
execute0_lowered:
.L_overlay_start_1:
0x0: {  	(tag) =	ssettag $0x1  }
0x1: {  	v0 =	vimm.s32 $0xEFCDAB89;
	v1 =	vimm.s32 $0x67452301  }
0x2: {  	v2 =	vimm.s32 $0xDCFE98BA;
	v3 =	vimm.s32 $0x54761032;
	v4 =	vimm.s32 $0xBA98FEDC  }
0x3: {  	v5 =	vimm.s32 $0x32107654;
	v6 =	vimm.s32 $0xFEDCBA98;
	v7 =	vimm.s32 $0x76543210  }
0x4: {  	vm0 =	vcmask $0x3F08;
	v0 =	vunpack.c.l.s4.s8 v0;
	v1 =	vunpack.c.l.s4.s8 v1  }
0x5: {  	s3 =	rddreg [dreg:$0x0];
	s2 =	srdreg.scid;
	v2 =	vunpack.c.l.s4.s8 v2;
	v3 =	vunpack.c.l.s4.s8 v3;
	v4 =	vunpack.c.l.s4.s8 v4  }
0x6: {  	s0 =	rddreg [dreg:$0x1];
	s1 =	stileid.u32;
	s7 =	simm.s32 $0x1;
	v5 =	vunpack.c.l.s4.s8 v5;
	v6 =	vunpack.c.l.s4.s8 v6;
	v0 =	vunpack.c.0.s8.s32 v0  }
0x7: {  	s8 =	simm.s32 $0x8000;
	s9 =	simm.s32 $0x10000;
	s4 =	sand.u32 $0x1, s2;
	v1 =	vunpack.c.0.s8.s32 v1;
	v2 =	vunpack.c.0.s8.s32 v2;
	v3 =	vunpack.c.0.s8.s32 v3  }
0x8: {  	s10 =	simm.s32 $0x0;
	s5 =	sshll.u32 s1, $0xD;
	v7 =	vunpack.c.l.s4.s8 v7;
	s6 =	sshll.u32 s4, $0xC;
	v4 =	vunpack.c.0.s8.s32 v4;
	v5 =	vunpack.c.0.s8.s32 v5  }
0x9: {  	s2 =	simm.s32 $0x0;
	s4 =	ssub.s32 $0x2, s4;
	s5 =	sor.u32 s6, s5;
	v0 =	vcombine.low v1, v0;
	v1 =	vunpack.c.0.s8.s32 v6;
	v2 =	vcombine.low v3, v2  }
0xa: {  	vm1 =	vmmov $0x1;
	[smem:$0x7FF] =	sst s2;
	s30 =	sshrl.u32 s4, $0x1;
	s5 =	sadd.s32 s5, s3;
	v3 =	vcombine.low v5, v4;
	v4 =	vunpack.c.0.s8.s32 v7  }
0xb: {  	_ =	strace $0x80000047;
	s31 =	ssub.s32 s4, s30;
	s3 =	sadd.s32 $0xE00, s5;
	v0 =	vand.u32 $0xF, v0;
	v5 =	vand.u32 $0xF, v1;
	v1 =	vand.u32 $0xF, v2  }
0xc: {  	s4 =	sadd.s32 $0x20E00, s5;
	s5 =	sadd.s32 $0x40E00, s5;
	s6 =	smax.u32 s31, $0x1;
	v2 =	vand.u32 $0xF, v3;
	v3 =	vcombine.low v5, v4;
	v4 =	vlaneseq.u32  }
.LBB2_1:
0xd: {  	[tilespmem:s2], [sflag:$0x1] =	stream.linear.gather [hbm4b:s3+s2], $0x8000, $0x38;
	[tilespmem:$0x18000] =	vst v63  }
0xe: {  	_ =	swait.ge [sflag:s7], $0x8000  }
0xf: {  	[sflag:s7] =	ssyncset.done $0x0  }
0x10: {  	s11 =	simm.s32 $0x0;
	[sflag:s7] =	ssyncadd.s32 $0xFFFF8000  }
0x11: {  	v6 =	vld [tilespmem:s11+$0x0];
	_ =	sdelay $0x4  }
0x12: {  	v5 =	vperm.xlane v6, v0;
	_ =	sdelay $0x1  }
0x13: {  	v5 =	vmax.f32 v6, v5  }
0x14: {  	v7 =	vperm.xlane v5, v1;
	_ =	sdelay $0x1  }
0x15: {  	v5 =	vmax.f32 v5, v7  }
0x16: {  	v7 =	vperm.xlane v5, v2;
	_ =	sdelay $0x1  }
0x17: {  	v5 =	vmax.f32 v5, v7  }
0x18: {  	v7 =	vperm.xlane v5, v3;
	_ =	sdelay $0x1  }
0x19: {  	v7 =	vmax.f32 v5, v7  }
0x1a: {  	vm2 =	veq.f32 v6, v7  }
0x1b: {  	s12 =	simm.s32 $0x80;
	v5 =	vnsel vm2, $0x10, v4  }
0x1c: {  	v10 =	vld [tilespmem:s12+$0x0];
	v8 =	vperm.xlane v5, v0;
	_ =	sdelay $0x1  }
0x1d: {  	vm2 =	vlt.s32 v5, v8  }
0x1e: {  	v5 =	vsel vm2, v5, v8  }
0x1f: {  	v8 =	vperm.xlane v5, v1  }
0x20: {  	v9 =	vperm.xlane v10, v0  }
0x21: {  	vm2 =	vlt.s32 v5, v8  }
0x22: {  	v5 =	vsel vm2, v5, v8;
	v8 =	vmax.f32 v10, v9  }
0x23: {  	v9 =	vperm.xlane v5, v2;
	v11 =	vperm.xlane v8, v1;
	_ =	sdelay $0x1  }
0x24: {  	vm2 =	vlt.s32 v5, v9;
	v8 =	vmax.f32 v8, v11  }
0x25: {  	v5 =	vsel vm2, v5, v9;
	v9 =	vperm.xlane v8, v2;
	_ =	sdelay $0x1  }
0x26: {  	v11 =	vperm.xlane v5, v3;
	v8 =	vmax.f32 v8, v9  }
0x27: {  	v9 =	vperm.xlane v8, v3  }
0x28: {  	vm2 =	vlt.s32 v5, v11  }
0x29: {  	v5 =	vsel vm2, v5, v11;
	v11 =	vmax.f32 v8, v9  }
0x2a: {  	vm2 =	veq.s32 v5, v4;
	vm3 =	veq.f32 v10, v11  }
0x2b: {  	v12 =	vsel vm2, $0xFF800000, v6;
	v8 =	vnsel vm3, $0x10, v4  }
0x2c: {  	s13 =	simm.s32 $0x100;
	v6 =	vperm.xlane v12, v0;
	v9 =	vperm.xlane v8, v0  }
0x2d: {  	v14 =	vld [tilespmem:s13+$0x0]  }
0x2e: {  	v6 =	vmax.f32 v12, v6;
	vm3 =	vlt.s32 v8, v9  }
0x2f: {  	v13 =	vperm.xlane v6, v1;
	v8 =	vsel vm3, v8, v9  }
0x30: {  	v9 =	vperm.xlane v8, v1  }
0x31: {  	v6 =	vmax.f32 v6, v13  }
0x32: {  	v15 =	vperm.xlane v14, v0;
	v13 =	vperm.xlane v6, v2;
	vm3 =	vlt.s32 v8, v9  }
0x33: {  	v8 =	vsel vm3, v8, v9  }
0x34: {  	v6 =	vmax.f32 v6, v13;
	v13 =	vmax.f32 v14, v15;
	v16 =	vperm.xlane v8, v2  }
0x35: {  	v9 =	vperm.xlane v6, v3;
	v15 =	vperm.xlane v13, v1  }
0x36: {  	vm3 =	vlt.s32 v8, v16  }
0x37: {  	v17 =	vmax.f32 v6, v9;
	v6 =	vmax.f32 v13, v15;
	v13 =	vsel vm3, v8, v16  }
0x38: {  	v7 =	vsub.f32 v17, v7;
	v9 =	vperm.xlane v6, v2;
	v15 =	vperm.xlane v13, v3;
	_ =	sdelay $0x1  }
0x39: {  	v7 =	vmul.f32 $1.442695020e+00, v7;
	v9 =	vmax.f32 v6, v9;
	vm3 =	vlt.s32 v13, v15  }
0x3a: {  	s14 =	simm.s32 $0x180;
	v16 =	vperm.xlane v9, v3;
	v6 =	vsel vm3, v13, v15  }
0x3b: {  	v8 =	vld [tilespmem:s14+$0x0];
	(erf) = vpow2.f32 v7;
	vm3 =	veq.s32 v6, v4  }
0x3c: {  	v9 =	vmax.f32 v9, v16;
	v15 =	vsel vm3, $0xFF800000, v10  }
0x3d: {  	vm4 =	veq.f32 v14, v9;
	v10 =	vperm.xlane v15, v0  }
0x3e: {  	v7 =	vnsel vm4, $0x10, v4  }
0x3f: {  	vm4 =	veq.f32 v12, v17;
	v13 =	vperm.xlane v7, v0;
	v10 =	vmax.f32 v15, v10  }
0x40: {  	v12 =	vperm.xlane v8, v0;
	v16 =	vnsel vm4, $0x10, v4;
	v17 =	vperm.xlane v10, v1  }
0x41: {  	v18 =	vperm.xlane v16, v0;
	vm4 =	vlt.s32 v7, v13  }
0x42: {  	v12 =	vmax.f32 v8, v12;
	v7 =	vsel vm4, v7, v13  }
0x43: {  	vm4 =	vlt.s32 v16, v18;
	v13 =	vperm.xlane v7, v1;
	v10 =	vmax.f32 v10, v17  }
0x44: {  	v20 =	vperm.xlane v12, v1;
	v16 =	vsel vm4, v16, v18;
	v19 =	vperm.xlane v10, v2;
	v17 =	vpop (erf)  }
0x45: {  	v21 =	vperm.xlane v16, v1;
	vm4 =	vlt.s32 v7, v13;
	v18 =	vadd.f32 $1.000000000e+00, v17  }
0x46: {  	v12 =	vmax.f32 v12, v20;
	v10 =	vmax.f32 v10, v19;
	v7 =	vsel vm4, v7, v13  }
0x47: {  	vm4 =	vlt.s32 v16, v21;
	v13 =	vperm.xlane v10, v3;
	(erf) = vrcp.f32 v18  }
0x48: {  	v19 =	vperm.xlane v12, v2;
	v16 =	vsel vm4, v16, v21;
	v18 =	vperm.xlane v7, v2  }
0x49: {  	v20 =	vmax.f32 v10, v13;
	v10 =	vperm.xlane v16, v2  }
0x4a: {  	v13 =	vmax.f32 v12, v19;
	vm4 =	vlt.s32 v7, v18  }
0x4b: {  	v11 =	vsub.f32 v20, v11;
	v7 =	vsel vm4, v7, v18;
	vm4 =	vlt.s32 v16, v10  }
0x4c: {  	v10 =	vsel vm4, v16, v10;
	v16 =	vperm.xlane v13, v3  }
0x4d: {  	v18 =	vperm.xlane v7, v3;
	v11 =	vmul.f32 $1.442695020e+00, v11  }
0x4e: {  	vm2 =	vmmov vm2;
	vm3 =	vmmov vm3;
	v19 =	vperm.xlane v10, v3  }
0x4f: {  	s15 =	simm.s32 $0x200;
	vm4 =	vmmov vm2;
	vm2 =	vlt.s32 v7, v18;
	(erf) = vpow2.f32 v11  }
0x50: {  	v12 =	vld [tilespmem:s15+$0x0];
	v13 =	vmax.f32 v13, v16;
	v7 =	vsel vm2, v7, v18;
	vm5 =	vlt.s32 v10, v19;
	v16 =	vpop (erf)  }
0x51: {  	vm2 =	veq.s32 v7, v4;
	v11 =	vsel vm5, v10, v19;
	v17 =	vmul.f32 v16, v17  }
0x52: {  	vm5 =	veq.f32 v8, v13;
	v10 =	vsel vm2, $0xFF800000, v14;
	vm6 =	veq.s32 v11, v4  }
0x53: {  	v14 =	vnsel vm5, $0x10, v4;
	v19 =	vperm.xlane v10, v0;
	v18 =	vnsel vm6, $0x0, v17  }
0x54: {  	vm5 =	veq.f32 v15, v20;
	v17 =	vperm.xlane v14, v0;
	v20 =	vsel vm4, v16, v18  }
0x55: {  	s16 =	simm.s32 $0xA00;
	v15 =	vnsel vm5, $0x10, v4;
	v18 =	vperm.xlane v12, v0;
	v16 =	vmax.f32 v10, v19;
	[tilespmem:s11+$0x8000] =	vst v20  }
.LBB2_2:
0x56: {  	p0 =	sne.s32 s16, $0x1FE00;
	vm4 =	vlt.s32 v14, v17;
	v21 =	vperm.xlane v16, v1;
	v20 =	vperm.xlane v15, v0  }
0x57: {  	v11 =	vsel vm0, $0x0, v11;
	v18 =	vmax.f32 v12, v18;
	v14 =	vsel vm4, v14, v17  }
0x58: {  	v17 =	vperm.xlane v14, v1;
	v16 =	vmax.f32 v16, v21;
	vm4 =	vlt.s32 v15, v20;
	v19 =	vpop (erf)  }
0x59: {  	v21 =	vperm.xlane v16, v2;
	v15 =	vsel vm4, v15, v20;
	v20 =	vadd.f32 $1.000000000e+00, v19  }
0x5a: {  	v11 =	vsel vm1, v5, v11;
	v5 =	vmovc v6;
	v22 =	vperm.xlane v18, v1;
	v23 =	vperm.xlane v15, v1  }
0x5b: {  	v6 =	vmovc v7;
	vm4 =	vlt.s32 v14, v17;
	v16 =	vmax.f32 v16, v21;
	(erf) = vrcp.f32 v20;
	[tilespmem:s11+$0x10000] =	vst v11;
	s11 =	smov.u32 s12;
	s12 =	smov.u32 s13;
	s13 =	smov.u32 s14  }
0x5c: {  	v7 =	vsel vm4, v14, v17;
	s14 =	smov.u32 s15;
	v11 =	vperm.xlane v16, v3;
	vm4 =	vlt.s32 v15, v23  }
0x5d: {  	v14 =	vmax.f32 v18, v22;
	v17 =	vperm.xlane v7, v2;
	v15 =	vsel vm4, v15, v23  }
0x5e: {  	v18 =	vperm.xlane v14, v2;
	v16 =	vmax.f32 v16, v11;
	v11 =	vperm.xlane v15, v2  }
0x5f: {  	vm4 =	vmmov vm3;
	vm5 =	vlt.s32 v7, v17;
	v20 =	vsub.f32 v16, v9;
	v9 =	vmovc v13  }
0x60: {  	v13 =	vmax.f32 v14, v18;
	v7 =	vsel vm5, v7, v17;
	vm3 =	vlt.s32 v15, v11  }
0x61: {  	v14 =	vperm.xlane v7, v3;
	v17 =	vmul.f32 $1.442695020e+00, v20;
	v11 =	vsel vm3, v15, v11  }
0x62: {  	v21 =	vperm.xlane v13, v3;
	vm3 =	vmmov vm2;
	v18 =	vperm.xlane v11, v3  }
0x63: {  	s15 =	sshra.s32 s16, $0x2;
	vm2 =	vlt.s32 v7, v14;
	(erf) = vpow2.f32 v17  }
0x64: {  	v13 =	vmax.f32 v13, v21;
	v7 =	vsel vm2, v7, v14;
	v20 =	vld [tilespmem:s15+$0x0];
	vm5 =	vlt.s32 v11, v18;
	v15 =	vpop (erf)  }
.Ltmp0:
0x65: {  	vm2 =	veq.s32 v7, v4;
	v11 =	vsel vm5, v11, v18;
	v17 =	vmul.f32 v15, v19;
	(pc) =	sbr.rel @p0 .LBB2_2-.Ltmp0, $4  }
0x66: {  	vm5 =	veq.f32 v12, v13;
	v18 =	vsel vm2, $0xFF800000, v8;
	v8 =	vmovc v12;
	vm6 =	veq.s32 v11, v4  }
0x67: {  	v14 =	vnsel vm5, $0x10, v4;
	v21 =	vperm.xlane v18, v0;
	v19 =	vnsel vm6, $0x0, v17  }
0x68: {  	vm5 =	veq.f32 v10, v16;
	v10 =	vmovc v18;
	v17 =	vperm.xlane v14, v0;
	v19 =	vsel vm4, v15, v19  }
0x69: {  	s16 =	sadd.s32 $0x200, s16;
	v16 =	vmax.f32 v10, v21;
	v15 =	vnsel vm5, $0x10, v4;
	v18 =	vperm.xlane v20, v0;
	[tilespmem:s11+$0x8000] =	vst v19;
	v12 =	vmovc v20  }
0x6a: {  	_ = 	snop  }
0x6b: {  	v18 =	vmax.f32 v12, v18  }
0x6c: {  	vm4 =	vlt.s32 v14, v17;
	v19 =	vperm.xlane v18, v1  }
0x6d: {  	v14 =	vsel vm4, v14, v17  }
0x6e: {  	v17 =	vperm.xlane v14, v1;
	v18 =	vmax.f32 v18, v19  }
0x6f: {  	v19 =	vperm.xlane v18, v2  }
0x70: {  	vm4 =	vlt.s32 v14, v17  }
0x71: {  	v20 =	vperm.xlane v16, v1;
	v14 =	vsel vm4, v14, v17;
	v28 =	vmax.f32 v18, v19  }
0x72: {  	v29 =	vperm.xlane v14, v2;
	v19 =	vperm.xlane v28, v3  }
0x73: {  	v16 =	vmax.f32 v16, v20  }
0x74: {  	v20 =	vperm.xlane v16, v2;
	vm4 =	vlt.s32 v14, v29;
	v17 =	vmax.f32 v28, v19  }
0x75: {  	v14 =	vsel vm4, v14, v29;
	vm11 =	veq.f32 v12, v17  }
0x76: {  	v16 =	vmax.f32 v16, v20;
	v18 =	vperm.xlane v14, v3;
	v30 =	vnsel vm11, $0x10, v4  }
0x77: {  	v20 =	vperm.xlane v16, v3;
	v21 =	vperm.xlane v30, v0  }
0x78: {  	vm12 =	vlt.s32 v14, v18  }
0x79: {  	v16 =	vmax.f32 v16, v20;
	v14 =	vsel vm12, v14, v18;
	vm5 =	vlt.s32 v30, v21  }
0x7a: {  	v31 =	vpop (erf);
	v9 =	vsub.f32 v16, v9;
	vm4 =	veq.s32 v14, v4;
	v19 =	vsel vm5, v30, v21  }
0x7b: {  	v32 =	vadd.f32 $1.000000000e+00, v31;
	v8 =	vsel vm4, $0xFF800000, v8;
	v21 =	vperm.xlane v19, v1  }
0x7c: {  	v9 =	vmul.f32 $1.442695020e+00, v9;
	v22 =	vperm.xlane v8, v0  }
0x7d: {  	(erf) = vrcp.f32 v32;
	vm5 =	vlt.s32 v19, v21  }
0x7e: {  	(erf) = vpow2.f32 v9;
	v33 =	vmax.f32 v8, v22;
	v19 =	vsel vm5, v19, v21  }
0x7f: {  	v34 =	vperm.xlane v33, v1;
	v21 =	vperm.xlane v19, v2;
	_ =	sdelay $0x1  }
0x80: {  	v9 =	vmax.f32 v33, v34;
	vm5 =	vlt.s32 v19, v21  }
0x81: {  	v20 =	vperm.xlane v9, v2;
	v19 =	vsel vm5, v19, v21  }
0x82: {  	v21 =	vperm.xlane v19, v3  }
0x83: {  	v9 =	vmax.f32 v9, v20  }
0x84: {  	v20 =	vperm.xlane v9, v3;
	vm5 =	vlt.s32 v19, v21  }
0x85: {  	v19 =	vsel vm5, v19, v21  }
0x86: {  	v35 =	vpop (erf);
	v9 =	vmax.f32 v9, v20;
	vm5 =	veq.s32 v19, v4  }
0x87: {  	v36 =	vpop (erf);
	v13 =	vsub.f32 v9, v13;
	v37 =	vsel vm5, $0xFF800000, v12  }
0x88: {  	v38 =	vadd.f32 $1.000000000e+00, v36;
	v23 =	vperm.xlane v37, v0  }
0x89: {  	v13 =	vmul.f32 $1.442695020e+00, v13  }
0x8a: {  	(erf) = vrcp.f32 v38;
	v39 =	vmax.f32 v37, v23  }
0x8b: {  	(erf) = vpow2.f32 v13;
	v40 =	vperm.xlane v39, v1;
	_ =	sdelay $0x1  }
0x8c: {  	v13 =	vmax.f32 v39, v40  }
0x8d: {  	v41 =	vperm.xlane v15, v0;
	v22 =	vperm.xlane v13, v2;
	_ =	sdelay $0x1  }
0x8e: {  	vm6 =	vlt.s32 v15, v41;
	v13 =	vmax.f32 v13, v22  }
0x8f: {  	v15 =	vsel vm6, v15, v41;
	v22 =	vperm.xlane v13, v3  }
0x90: {  	v23 =	vperm.xlane v15, v1  }
0x91: {  	vm7 =	veq.f32 v10, v16;
	v44 =	vpop (erf);
	v13 =	vmax.f32 v13, v22  }
0x92: {  	v43 =	vnsel vm7, $0x10, v4;
	vm6 =	vlt.s32 v15, v23;
	v24 =	vpop (erf);
	v17 =	vsub.f32 v13, v17  }
0x93: {  	v46 =	vperm.xlane v43, v0;
	v42 =	vsel vm6, v15, v23;
	v25 =	vadd.f32 $1.000000000e+00, v24  }
0x94: {  	vm13 =	veq.f32 v8, v9;
	v45 =	vperm.xlane v42, v2;
	v17 =	vmul.f32 $1.442695020e+00, v17  }
0x95: {  	vm7 =	vlt.s32 v43, v46;
	v9 =	vnsel vm13, $0x10, v4;
	(erf) = vrcp.f32 v25  }
0x96: {  	v48 =	vperm.xlane v9, v0;
	vm6 =	vlt.s32 v42, v45;
	(erf) = vpow2.f32 v17  }
0x97: {  	v15 =	vsel vm7, v43, v46;
	v10 =	vsel vm6, v42, v45  }
0x98: {  	vm9 =	vlt.s32 v9, v48;
	v47 =	vperm.xlane v15, v1;
	v22 =	vperm.xlane v10, v3  }
0x99: {  	vm3 =	vmmov vm3;
	v18 =	vmul.f32 v35, v31;
	v9 =	vsel vm9, v9, v48  }
0x9a: {  	v49 =	vperm.xlane v9, v1;
	vm15 =	vlt.s32 v15, v47;
	vm14 =	vlt.s32 v10, v22  }
0x9b: {  	v8 =	vsel vm15, v15, v47;
	vm10 =	veq.f32 v37, v13;
	v10 =	vsel vm14, v10, v22  }
0x9c: {  	v15 =	vperm.xlane v8, v2;
	v12 =	vnsel vm10, $0x10, v4;
	vm11 =	veq.s32 v10, v4  }
0x9d: {  	v11 =	vsel vm0, $0x0, v11;
	v51 =	vperm.xlane v12, v0;
	v50 =	vnsel vm11, $0x0, v18  }
0x9e: {  	vm12 =	vlt.s32 v8, v15;
	v17 =	vsel vm3, v35, v50;
	vm3 =	vlt.s32 v9, v49;
	v52 =	vpop (erf)  }
0x9f: {  	v8 =	vsel vm12, v8, v15;
	v9 =	vsel vm3, v9, v49;
	vm3 =	vlt.s32 v12, v51;
	v53 =	vpop (erf)  }
0xa0: {  	v54 =	vperm.xlane v8, v3;
	v12 =	vsel vm3, v12, v51;
	v55 =	vadd.f32 $1.000000000e+00, v53  }
0xa1: {  	vm2 =	vmmov vm2;
	v5 =	vsel vm1, v5, v11;
	v56 =	vperm.xlane v12, v1  }
0xa2: {  	vm2 =	vmmov vm2;
	vm3 =	vlt.s32 v8, v54;
	(erf) = vrcp.f32 v55  }
0xa3: {  	v57 =	vperm.xlane v9, v2;
	v8 =	vsel vm3, v8, v54;
	vm3 =	vlt.s32 v12, v56  }
0xa4: {  	vm4 =	vmmov vm4;
	v59 =	vmul.f32 v44, v36;
	v58 =	vsel vm3, v12, v56  }
0xa5: {  	v10 =	vsel vm0, $0x0, v10;
	vm3 =	vlt.s32 v9, v57;
	v12 =	vperm.xlane v58, v2  }
0xa6: {  	v6 =	vsel vm1, v6, v10;
	vm13 =	veq.s32 v8, v4;
	v9 =	vsel vm3, v9, v57  }
0xa7: {  	v8 =	vsel vm0, $0x0, v8;
	v18 =	vperm.xlane v9, v3;
	vm3 =	vlt.s32 v58, v12  }
0xa8: {  	[tilespmem:s11+$0x10000] =	vst v5;
	v11 =	vnsel vm13, $0x0, v59;
	v5 =	vsel vm1, v7, v8;
	v10 =	vsel vm3, v58, v12  }
0xa9: {  	v11 =	vsel vm2, v44, v11;
	vm2 =	vlt.s32 v9, v18;
	v7 =	vperm.xlane v10, v3  }
0xaa: {  	[tilespmem:s12+$0x10000] =	vst v6;
	v61 =	vmul.f32 v52, v24;
	vm3 =	vmmov vm4;
	v60 =	vsel vm2, v9, v18  }
0xab: {  	[tilespmem:s12+$0x8000] =	vst v17;
	vm2 =	vmmov vm5;
	vm14 =	veq.s32 v60, v4;
	vm15 =	vlt.s32 v10, v7;
	v6 =	vpop (erf)  }
0xac: {  	[tilespmem:s13+$0x10000] =	vst v5;
	v9 =	vnsel vm14, $0x0, v61;
	v7 =	vsel vm15, v10, v7;
	v62 =	vmul.f32 v6, v53  }
0xad: {  	[tilespmem:s13+$0x8000] =	vst v11;
	v8 =	vsel vm0, $0x0, v60;
	v5 =	vsel vm3, v52, v9;
	vm3 =	veq.s32 v7, v4  }
0xae: {  	vm2 =	vmmov vm2;
	[tilespmem:s14+$0x8000] =	vst v5;
	v5 =	vsel vm1, v14, v8;
	v63 =	vnsel vm3, $0x0, v62  }
0xaf: {  	[tilespmem:s14+$0x10000] =	vst v5;
	v5 =	vsel vm2, v6, v63;
	v6 =	vsel vm0, $0x0, v7  }
0xb0: {  	[tilespmem:s15+$0x8000] =	vst v5;
	v5 =	vsel vm1, v19, v6  }
0xb1: {  	[tilespmem:s15+$0x10000] =	vst v5  }
0xb2: {  	[hbm4b:s4+s2] =	stream.linear.scatter [tilespmem:s8], [sflag:$0x1], $0x8000, $0x38;
	[tilespmem:$0x18000] =	vst v63  }
0xb3: {  	s10 =	sadd.s32 $0x1, s10;
	_ =	swait.ge [sflag:s7], $0x8000  }
0xb4: {  	p0 =	sne.s32 s10, s6;
	[sflag:s7] =	ssyncset.done $0x0  }
.Ltmp1:
0xb5: {  	[sflag:s7] =	ssyncadd.s32 $0xFFFF8000;
	(pc) =	sbr.rel @p0 .LBB2_1-.Ltmp1, $4  }
0xb6: {  	[hbm4b:s5+s2] =	stream.linear.scatter [tilespmem:s9], [sflag:$0x1], $0x8000, $0x38;
	[tilespmem:$0x18000] =	vst v63  }
0xb7: {  	_ =	swait.ge [sflag:s7], $0x8000  }
0xb8: {  	[sflag:s7] =	ssyncset.done $0x0  }
0xb9: {  	[sflag:s7] =	ssyncadd.s32 $0xFFFF8000  }
0xba: {  	_ =	sfence.sel $0x180000  }
0xbb: {  	[bflag:$0x0] =	sbarrier.arrive $0xFFFF  }
0xbc: {  	p0 =	sne.s32 s1, $0x0;
	_ =	strace $0x90000047  }
0xbd: {  	s0 =	sadd.s32 @!p0 $0x100000, s0;
	[bflag:$0x2] =	sbarrier.arrive $0xFFFF  }
0xbe: {  	[sflag:s0] =	ssyncadd.tile.s32 @!p0 $0x1;
	_ =	shalt  }
.Lfunc_end2:
_tile_overlayer_lowered:
.L_overlay_start_2:
0xbf: {  	(tag) =	ssettag $0x2  }
0xc0: {  	s0 =	rddreg [dreg:$0x0];
	s2 =	stileid.u32  }
0xc1: {  	s1 =	rddreg [dreg:$0x1];
	p0 =	sne.s32 s2, $0x0  }
0xc2: {  	s3 =	rddreg [dreg:$0x2];
	[bflag:$0x3] =	sbarrier.arrive $0xFFFF;
	s2 =	simm.s32 @!p0 $0x1C01  }
0xc3: {  	[timem:s3], [sflag:s2] =	dma.local @!p0 [hbm:s0], s1  }
0xc4: {  	s0 =	simm.s32 @!p0 $0x1  }
0xc5: {  	_ =	swait.ge @!p0 [sflag:s0], s1  }
0xc6: {  	s1 =	ssub.s32 @!p0 $0x0, s1;
	[sflag:s0] =	ssyncset.done @!p0 $0x0  }
0xc7: {  	[sflag:s0] =	ssyncadd.s32 @!p0 s1  }
0xc8: {  	[bflag:$0x3] =	sbarrier.arrive $0xFFFF  }
0xc9: {  	_ =	shalt  }

</sc_bundles>
